<compile_context>
chip_gen: v7x
topology: tpu7x:2x2x1
jax: 0.10.2.dev20260603
libtpu: 0.0.44.dev20260713+nightly
codegen_flags: <defaults>
</compile_context>

<pallas_src>
import functools

import jax
import jax.numpy as jnp
import numpy as np
from jax import lax
from jax.experimental import pallas as pl
from jax.experimental.pallas import tpu as pltpu
from jax.experimental.pallas import tpu_sc as plsc

_V = 1000000
_D = 128
_B = 4096
_L = 50

_NC = 2
_NS = 16
_NW = _NC * _NS
_BPW = _B // _NW
_RPC = 2
_IPC = _RPC * _L
_STRIDE = 104
_CHUNKS = _BPW // _RPC
_LANES = 16
_KV = _D // _LANES


_NBUF = 4


def _pool_body(idx_hbm, rid_hbm, zero_hbm, table_hbm, pooled_hbm,
               idx_v, rid_v, bufs, pooled_v, shared_acc, gsems, ssems):
    cid = lax.axis_index("c")
    sid = lax.axis_index("s")
    wid = sid * _NC + cid
    pltpu.sync_copy(idx_hbm.at[wid], idx_v)
    pltpu.sync_copy(rid_hbm.at[sid], rid_v)
    pltpu.sync_copy(zero_hbm, pooled_v)
    pltpu.sync_copy(pooled_v, shared_acc.at[pl.ds(sid * _BPW, _BPW)])

    def _gather(c, p):
        return pltpu.async_copy(table_hbm.at[idx_v.at[c]], bufs[p], gsems[p])

    _gather(0, 0)
    _gather(1, 1)

    def quad_body(c4, carry):
        for p in range(_NBUF):
            c = c4 * _NBUF + p
            pltpu.make_async_copy(
                table_hbm.at[idx_v.at[c]], bufs[p], gsems[p]
            ).wait()
            pltpu.async_copy(bufs[p], shared_acc.at[rid_v.at[c]], ssems[p],
                             add=True)
            q = (p + 2) % _NBUF
            prev = c - (_NBUF - 2)

            @pl.when(jnp.logical_and(prev >= 0, c + 2 < _CHUNKS))
            def _():
                pltpu.make_async_copy(
                    bufs[q], shared_acc.at[rid_v.at[prev]], ssems[q]
                ).wait()

            @pl.when(c + 2 < _CHUNKS)
            def _():
                _gather(c + 2, q)

        return carry

    lax.fori_loop(0, _CHUNKS // _NBUF, quad_body, 0)
    for p in range(_NBUF):
        c = _CHUNKS - _NBUF + p
        pltpu.make_async_copy(
            bufs[p % _NBUF], shared_acc.at[rid_v.at[c]], ssems[c % _NBUF]
        ).wait()
    pltpu.sync_copy(shared_acc.at[pl.ds(sid * _BPW, _BPW)], pooled_v)
    pltpu.sync_copy(pooled_v, pooled_hbm.at[pl.ds(wid * _BPW, _BPW)])


_pool = functools.partial(
    pl.kernel,
    mesh=plsc.VectorSubcoreMesh(core_axis_name="c", subcore_axis_name="s"),
    out_type=jax.ShapeDtypeStruct((_B, _D), jnp.float32),
    scratch_types=[
        pltpu.VMEM((_CHUNKS, _IPC), jnp.int32),
        pltpu.VMEM((_CHUNKS, _IPC), jnp.int32),
        tuple(pltpu.VMEM((_IPC, _D), jnp.float32) for _ in range(_NBUF)),
        pltpu.VMEM((_BPW, _D), jnp.float32),
        pltpu.VMEM_SHARED((_NS * _BPW, _D), jnp.float32),
        tuple(pltpu.SemaphoreType.DMA for _ in range(_NBUF)),
        tuple(pltpu.SemaphoreType.DMA for _ in range(_NBUF)),
    ],
)(_pool_body)

_RID = (
    np.repeat(np.arange(_BPW, dtype=np.int32).reshape(_CHUNKS, _RPC), _L, axis=1)
    [None, :, :]
    + (np.arange(_NS, dtype=np.int32) * _BPW)[:, None, None]
)


def _linear_body(pooled_ref, wt_ref, bias_ref, out_ref):
    out_ref[...] = (
        jnp.dot(pooled_ref[...], wt_ref[...], preferred_element_type=jnp.float32)
        + bias_ref[...]
    )


def kernel(s, table, W, b):
    s32 = s.astype(jnp.int32)
    flat_idx = s32.reshape(_NW, _CHUNKS, _IPC)
    rid = jnp.asarray(_RID)
    zeros = jnp.zeros((_BPW, _D), jnp.float32)
    pooled = _pool(flat_idx, rid, zeros, table)
    out = pl.pallas_call(
        _linear_body,
        out_shape=jax.ShapeDtypeStruct((_B, 2), jnp.float32),
    )(pooled, W.T.astype(jnp.float32), (_L * b).reshape(1, 2).astype(jnp.float32))
    return out

# --- scband reference (transcript-rebuilt; emitter-appended) ---
"""Pipeline reference for scband-my-model-61933428415928 (READ-ONLY COPY).

The authoritative reference and input builder live on the scoring server;
editing this copy changes nothing except your own understanding.
"""

import jax, jax.numpy as jnp
import numpy as np

VOCAB = 1000000
EMBED_DIM = 128
BATCH = 4096
HIST_LEN = 50


def setup_inputs(seed: int = 0) -> dict:
    key = jax.random.key(seed)
    k_idx, k_tab, k_w, k_b = jax.random.split(key, 4)
    s = jax.random.randint(k_idx, (BATCH, HIST_LEN), 0, VOCAB, dtype=jnp.int64 if jax.config.jax_enable_x64 else jnp.int32)
    # pretrained embedding table (vectors passed to __init__)
    table = jax.random.normal(k_tab, (VOCAB, EMBED_DIM), dtype=jnp.float32)
    # nn.Linear(128, 2): W [2, 128], b [2]
    lim = 1.0 / np.sqrt(EMBED_DIM)
    W = jax.random.uniform(k_w, (2, EMBED_DIM), minval=-lim, maxval=lim, dtype=jnp.float32)
    b = jax.random.uniform(k_b, (2,), minval=-lim, maxval=lim, dtype=jnp.float32)
    return {"s": s, "table": table, "W": W, "b": b}


def reference(s, table, W, b):
    # emb lookup: [B, L] -> [B, L, D]
    e = jnp.take(table, s, axis=0)
    # linear: [B, L, D] @ [D, 2] + b -> [B, L, 2]
    out = jnp.einsum('bld,od->blo', e, W) + b
    # sum over sequence dim -> [B, 2]
    return out.sum(axis=1)

if __name__ == "__main__":
    import jax
    _d = setup_inputs()
    print(jax.jit(kernel)(*tuple(_d.values())))

</pallas_src>

<mosaic_0001>
#map = affine_map<(d0, d1) -> (0, 0, 0)>
#map1 = affine_map<(d0, d1) -> (0, 0)>
module attributes {stable_mosaic.version = 14 : i64} {
  func.func @_pool_body(%arg0: i32, %arg1: i32, %arg2: memref<32x64x100xi32, #tpu.memory_space<hbm>>, %arg3: memref<16x64x100xi32, #tpu.memory_space<hbm>>, %arg4: memref<128x128xf32, #tpu.memory_space<hbm>>, %arg5: memref<1000000x128xf32, #tpu.memory_space<hbm>>, %arg6: memref<4096x128xf32, #tpu.memory_space<hbm>>, %arg7: memref<64x100xi32, #tpu.memory_space<vmem>>, %arg8: memref<64x100xi32, #tpu.memory_space<vmem>>, %arg9: memref<100x128xf32, #tpu.memory_space<vmem>>, %arg10: memref<100x128xf32, #tpu.memory_space<vmem>>, %arg11: memref<100x128xf32, #tpu.memory_space<vmem>>, %arg12: memref<100x128xf32, #tpu.memory_space<vmem>>, %arg13: memref<128x128xf32, #tpu.memory_space<vmem>>, %arg14: memref<2048x128xf32, #tpu.memory_space<vmem_shared>>, %arg15: memref<!tpu.dma_semaphore, #tpu.memory_space<semaphore_mem>>, %arg16: memref<!tpu.dma_semaphore, #tpu.memory_space<semaphore_mem>>, %arg17: memref<!tpu.dma_semaphore, #tpu.memory_space<semaphore_mem>>, %arg18: memref<!tpu.dma_semaphore, #tpu.memory_space<semaphore_mem>>, %arg19: memref<!tpu.dma_semaphore, #tpu.memory_space<semaphore_mem>>, %arg20: memref<!tpu.dma_semaphore, #tpu.memory_space<semaphore_mem>>, %arg21: memref<!tpu.dma_semaphore, #tpu.memory_space<semaphore_mem>>, %arg22: memref<!tpu.dma_semaphore, #tpu.memory_space<semaphore_mem>>) attributes {dimension_semantics = [#tpu.dimension_semantics<core_parallel>, #tpu.dimension_semantics<subcore_parallel>], iteration_bounds = array<i64: 2, 16>, scalar_prefetch = 0 : i64, scratch_operands = 16 : i64, tpu.core_type = #tpu.core_type<sc_vector_subcore>, window_params = [{transform_indices = #map}, {transform_indices = #map}, {transform_indices = #map1}, {transform_indices = #map1}, {transform_indices = #map1}]} {
    %mul3A = arith.constant 2 : i32
    %mul3A_0 = arith.muli %arg1, %mul3A : i32
    %add3A = arith.addi %mul3A_0, %arg0 : i32
    "tpu.region"() ({
      %run_scoped3A = tpu.sem_alloc : memref<!tpu.dma_semaphore, #tpu.memory_space<semaphore_mem>>
      %dma_start3A_52 = arith.constant 0 : i32
      %dma_start3A_53 = arith.constant 0 : i32
      %dma_start3A_54 = tpu.memref_slice %arg2[%add3A, %dma_start3A_52, %dma_start3A_53] : memref<32x64x100xi32, #tpu.memory_space<hbm>> -> memref<1x64x100xi32, #tpu.memory_space<hbm>>
      %dma_start3A_55 = tpu.memref_squeeze %dma_start3A_54 : memref<1x64x100xi32, #tpu.memory_space<hbm>> -> memref<64x100xi32, #tpu.memory_space<hbm>>
      %dma_start3A_56 = arith.constant 0 : i32
      %dma_start3A_57 = arith.constant 0 : i32
      %dma_start3A_58 = tpu.memref_slice %arg2[%add3A, %dma_start3A_56, %dma_start3A_57] : memref<32x64x100xi32, #tpu.memory_space<hbm>> -> memref<1x64x100xi32, #tpu.memory_space<hbm>>
      %dma_start3A_59 = tpu.memref_squeeze %dma_start3A_58 : memref<1x64x100xi32, #tpu.memory_space<hbm>> -> memref<64x100xi32, #tpu.memory_space<hbm>>
      tpu.enqueue_dma source(%dma_start3A_59 : memref<64x100xi32, #tpu.memory_space<hbm>>) target(%arg7 : memref<64x100xi32, #tpu.memory_space<vmem>>) target_semaphore(%run_scoped3A : memref<!tpu.dma_semaphore, #tpu.memory_space<semaphore_mem>>)
      %dma_wait3A_60 = arith.constant 0 : i32
      %dma_wait3A_61 = arith.constant 0 : i32
      %dma_wait3A_62 = tpu.memref_slice %arg2[%add3A, %dma_wait3A_60, %dma_wait3A_61] : memref<32x64x100xi32, #tpu.memory_space<hbm>> -> memref<1x64x100xi32, #tpu.memory_space<hbm>>
      %dma_wait3A_63 = tpu.memref_squeeze %dma_wait3A_62 : memref<1x64x100xi32, #tpu.memory_space<hbm>> -> memref<64x100xi32, #tpu.memory_space<hbm>>
      %dma_wait3A_64 = arith.constant 0 : i32
      %dma_wait3A_65 = arith.constant 0 : i32
      %dma_wait3A_66 = tpu.memref_slice %arg2[%add3A, %dma_wait3A_64, %dma_wait3A_65] : memref<32x64x100xi32, #tpu.memory_space<hbm>> -> memref<1x64x100xi32, #tpu.memory_space<hbm>>
      %dma_wait3A_67 = tpu.memref_squeeze %dma_wait3A_66 : memref<1x64x100xi32, #tpu.memory_space<hbm>> -> memref<64x100xi32, #tpu.memory_space<hbm>>
      tpu.wait_dma2 semaphore(%run_scoped3A : memref<!tpu.dma_semaphore, #tpu.memory_space<semaphore_mem>>) src(%dma_wait3A_67 : memref<64x100xi32, #tpu.memory_space<hbm>>) dst(%arg7 : memref<64x100xi32, #tpu.memory_space<vmem>>)
      tpu.yield
    }) : () -> ()
    "tpu.region"() ({
      %run_scoped3A = tpu.sem_alloc : memref<!tpu.dma_semaphore, #tpu.memory_space<semaphore_mem>>
      %dma_start3A_52 = arith.constant 0 : i32
      %dma_start3A_53 = arith.constant 0 : i32
      %dma_start3A_54 = tpu.memref_slice %arg3[%arg1, %dma_start3A_52, %dma_start3A_53] : memref<16x64x100xi32, #tpu.memory_space<hbm>> -> memref<1x64x100xi32, #tpu.memory_space<hbm>>
      %dma_start3A_55 = tpu.memref_squeeze %dma_start3A_54 : memref<1x64x100xi32, #tpu.memory_space<hbm>> -> memref<64x100xi32, #tpu.memory_space<hbm>>
      %dma_start3A_56 = arith.constant 0 : i32
      %dma_start3A_57 = arith.constant 0 : i32
      %dma_start3A_58 = tpu.memref_slice %arg3[%arg1, %dma_start3A_56, %dma_start3A_57] : memref<16x64x100xi32, #tpu.memory_space<hbm>> -> memref<1x64x100xi32, #tpu.memory_space<hbm>>
      %dma_start3A_59 = tpu.memref_squeeze %dma_start3A_58 : memref<1x64x100xi32, #tpu.memory_space<hbm>> -> memref<64x100xi32, #tpu.memory_space<hbm>>
      tpu.enqueue_dma source(%dma_start3A_59 : memref<64x100xi32, #tpu.memory_space<hbm>>) target(%arg8 : memref<64x100xi32, #tpu.memory_space<vmem>>) target_semaphore(%run_scoped3A : memref<!tpu.dma_semaphore, #tpu.memory_space<semaphore_mem>>)
      %dma_wait3A_60 = arith.constant 0 : i32
      %dma_wait3A_61 = arith.constant 0 : i32
      %dma_wait3A_62 = tpu.memref_slice %arg3[%arg1, %dma_wait3A_60, %dma_wait3A_61] : memref<16x64x100xi32, #tpu.memory_space<hbm>> -> memref<1x64x100xi32, #tpu.memory_space<hbm>>
      %dma_wait3A_63 = tpu.memref_squeeze %dma_wait3A_62 : memref<1x64x100xi32, #tpu.memory_space<hbm>> -> memref<64x100xi32, #tpu.memory_space<hbm>>
      %dma_wait3A_64 = arith.constant 0 : i32
      %dma_wait3A_65 = arith.constant 0 : i32
      %dma_wait3A_66 = tpu.memref_slice %arg3[%arg1, %dma_wait3A_64, %dma_wait3A_65] : memref<16x64x100xi32, #tpu.memory_space<hbm>> -> memref<1x64x100xi32, #tpu.memory_space<hbm>>
      %dma_wait3A_67 = tpu.memref_squeeze %dma_wait3A_66 : memref<1x64x100xi32, #tpu.memory_space<hbm>> -> memref<64x100xi32, #tpu.memory_space<hbm>>
      tpu.wait_dma2 semaphore(%run_scoped3A : memref<!tpu.dma_semaphore, #tpu.memory_space<semaphore_mem>>) src(%dma_wait3A_67 : memref<64x100xi32, #tpu.memory_space<hbm>>) dst(%arg8 : memref<64x100xi32, #tpu.memory_space<vmem>>)
      tpu.yield
    }) : () -> ()
    "tpu.region"() ({
      %run_scoped3A = tpu.sem_alloc : memref<!tpu.dma_semaphore, #tpu.memory_space<semaphore_mem>>
      tpu.enqueue_dma source(%arg4 : memref<128x128xf32, #tpu.memory_space<hbm>>) target(%arg13 : memref<128x128xf32, #tpu.memory_space<vmem>>) target_semaphore(%run_scoped3A : memref<!tpu.dma_semaphore, #tpu.memory_space<semaphore_mem>>)
      tpu.wait_dma2 semaphore(%run_scoped3A : memref<!tpu.dma_semaphore, #tpu.memory_space<semaphore_mem>>) src(%arg4 : memref<128x128xf32, #tpu.memory_space<hbm>>) dst(%arg13 : memref<128x128xf32, #tpu.memory_space<vmem>>)
      tpu.yield
    }) : () -> ()
    %mul3A_1 = arith.constant 128 : i32
    %mul3A_2 = arith.muli %arg1, %mul3A_1 : i32
    "tpu.region"() ({
      %run_scoped3A = tpu.sem_alloc : memref<!tpu.dma_semaphore, #tpu.memory_space<semaphore_mem>>
      %dma_start3A_52 = arith.constant 0 : i32
      %dma_start3A_53 = tpu.memref_slice %arg14[%mul3A_2, %dma_start3A_52] : memref<2048x128xf32, #tpu.memory_space<vmem_shared>> -> memref<128x128xf32, #tpu.memory_space<vmem_shared>>
      %dma_start3A_54 = arith.constant 0 : i32
      %dma_start3A_55 = tpu.memref_slice %arg14[%mul3A_2, %dma_start3A_54] : memref<2048x128xf32, #tpu.memory_space<vmem_shared>> -> memref<128x128xf32, #tpu.memory_space<vmem_shared>>
      tpu.enqueue_dma source(%arg13 : memref<128x128xf32, #tpu.memory_space<vmem>>) target(%dma_start3A_55 : memref<128x128xf32, #tpu.memory_space<vmem_shared>>) target_semaphore(%run_scoped3A : memref<!tpu.dma_semaphore, #tpu.memory_space<semaphore_mem>>)
      %dma_wait3A_56 = arith.constant 0 : i32
      %dma_wait3A_57 = tpu.memref_slice %arg14[%mul3A_2, %dma_wait3A_56] : memref<2048x128xf32, #tpu.memory_space<vmem_shared>> -> memref<128x128xf32, #tpu.memory_space<vmem_shared>>
      %dma_wait3A_58 = arith.constant 0 : i32
      %dma_wait3A_59 = tpu.memref_slice %arg14[%mul3A_2, %dma_wait3A_58] : memref<2048x128xf32, #tpu.memory_space<vmem_shared>> -> memref<128x128xf32, #tpu.memory_space<vmem_shared>>
      tpu.wait_dma2 semaphore(%run_scoped3A : memref<!tpu.dma_semaphore, #tpu.memory_space<semaphore_mem>>) src(%arg13 : memref<128x128xf32, #tpu.memory_space<vmem>>) dst(%dma_wait3A_59 : memref<128x128xf32, #tpu.memory_space<vmem_shared>>)
      tpu.yield
    }) : () -> ()
    %dma_start3A = arith.constant 0 : i32
    %dma_start3A_3 = arith.constant 0 : i32
    %dma_start3A_4 = tpu.memref_slice %arg7[%dma_start3A, %dma_start3A_3] : memref<64x100xi32, #tpu.memory_space<vmem>> -> memref<1x100xi32, #tpu.memory_space<vmem>>
    %dma_start3A_5 = tpu.memref_squeeze %dma_start3A_4 : memref<1x100xi32, #tpu.memory_space<vmem>> -> memref<100xi32, #tpu.memory_space<vmem>>
    %dma_start3A_6 = arith.constant 0 : i32
    %dma_start3A_7 = arith.constant 0 : i32
    %dma_start3A_8 = tpu.memref_slice %arg5[%dma_start3A_6, %dma_start3A_7] : memref<1000000x128xf32, #tpu.memory_space<hbm>> -> memref<1000000x128xf32, #tpu.memory_space<hbm>>
    tpu.enqueue_indirect_dma source(%dma_start3A_8 : memref<1000000x128xf32, #tpu.memory_space<hbm>>) target(%arg9 : memref<100x128xf32, #tpu.memory_space<vmem>>) offsets(%dma_start3A_5 : memref<100xi32, #tpu.memory_space<vmem>>) semaphore(%arg15 : memref<!tpu.dma_semaphore, #tpu.memory_space<semaphore_mem>>)
    %dma_start3A_9 = arith.constant 1 : i32
    %dma_start3A_10 = arith.constant 0 : i32
    %dma_start3A_11 = tpu.memref_slice %arg7[%dma_start3A_9, %dma_start3A_10] : memref<64x100xi32, #tpu.memory_space<vmem>> -> memref<1x100xi32, #tpu.memory_space<vmem>>
    %dma_start3A_12 = tpu.memref_squeeze %dma_start3A_11 : memref<1x100xi32, #tpu.memory_space<vmem>> -> memref<100xi32, #tpu.memory_space<vmem>>
    %dma_start3A_13 = arith.constant 0 : i32
    %dma_start3A_14 = arith.constant 0 : i32
    %dma_start3A_15 = tpu.memref_slice %arg5[%dma_start3A_13, %dma_start3A_14] : memref<1000000x128xf32, #tpu.memory_space<hbm>> -> memref<1000000x128xf32, #tpu.memory_space<hbm>>
    tpu.enqueue_indirect_dma source(%dma_start3A_15 : memref<1000000x128xf32, #tpu.memory_space<hbm>>) target(%arg10 : memref<100x128xf32, #tpu.memory_space<vmem>>) offsets(%dma_start3A_12 : memref<100xi32, #tpu.memory_space<vmem>>) semaphore(%arg16 : memref<!tpu.dma_semaphore, #tpu.memory_space<semaphore_mem>>)
    %scan3A = arith.constant 0 : i32
    %scan3A_16 = arith.constant 0 : i32
    %scan3A_17 = arith.constant 16 : i32
    %scan3A_18 = arith.addi %scan3A_16, %scan3A_17 : i32
    %scan3A_19 = arith.constant 1 : i32
    scf.for %scan3A_52 = %scan3A_16 to %scan3A_18 step %scan3A_19  : i32 {
      %mul3A_53 = arith.constant 4 : i32
      %mul3A_54 = arith.muli %scan3A_52, %mul3A_53 : i32
      %add3A_55 = arith.constant 0 : i32
      %add3A_56 = arith.addi %mul3A_54, %add3A_55 : i32
      %dma_wait3A_57 = arith.constant 0 : i32
      %dma_wait3A_58 = tpu.memref_slice %arg7[%add3A_56, %dma_wait3A_57] : memref<64x100xi32, #tpu.memory_space<vmem>> -> memref<1x100xi32, #tpu.memory_space<vmem>>
      %dma_wait3A_59 = tpu.memref_squeeze %dma_wait3A_58 : memref<1x100xi32, #tpu.memory_space<vmem>> -> memref<100xi32, #tpu.memory_space<vmem>>
      %dma_wait3A_60 = arith.constant 0 : i32
      %dma_wait3A_61 = arith.constant 0 : i32
      %dma_wait3A_62 = tpu.memref_slice %arg5[%dma_wait3A_60, %dma_wait3A_61] : memref<1000000x128xf32, #tpu.memory_space<hbm>> -> memref<1000000x128xf32, #tpu.memory_space<hbm>>
      tpu.wait_indirect_dma semaphore(%arg15 : memref<!tpu.dma_semaphore, #tpu.memory_space<semaphore_mem>>) src(%dma_wait3A_62 : memref<1000000x128xf32, #tpu.memory_space<hbm>>) dst(%arg9 : memref<100x128xf32, #tpu.memory_space<vmem>>)
      %dma_start3A_63 = arith.constant 0 : i32
      %dma_start3A_64 = tpu.memref_slice %arg8[%add3A_56, %dma_start3A_63] : memref<64x100xi32, #tpu.memory_space<vmem>> -> memref<1x100xi32, #tpu.memory_space<vmem>>
      %dma_start3A_65 = tpu.memref_squeeze %dma_start3A_64 : memref<1x100xi32, #tpu.memory_space<vmem>> -> memref<100xi32, #tpu.memory_space<vmem>>
      %dma_start3A_66 = arith.constant 0 : i32
      %dma_start3A_67 = arith.constant 0 : i32
      %dma_start3A_68 = tpu.memref_slice %arg14[%dma_start3A_66, %dma_start3A_67] : memref<2048x128xf32, #tpu.memory_space<vmem_shared>> -> memref<2048x128xf32, #tpu.memory_space<vmem_shared>>
      tpu.enqueue_indirect_dma source(%arg9 : memref<100x128xf32, #tpu.memory_space<vmem>>) target(%dma_start3A_68 : memref<2048x128xf32, #tpu.memory_space<vmem_shared>>) offsets(%dma_start3A_65 : memref<100xi32, #tpu.memory_space<vmem>>) semaphore(%arg19 : memref<!tpu.dma_semaphore, #tpu.memory_space<semaphore_mem>>) {add = true}
      %sub3A = arith.constant 2 : i32
      %sub3A_69 = arith.subi %add3A_56, %sub3A : i32
      %ge3A = arith.constant 0 : i32
      %ge3A_70 = arith.cmpi sge, %sub3A_69, %ge3A : i32
      %add3A_71 = arith.constant 2 : i32
      %add3A_72 = arith.addi %add3A_56, %add3A_71 : i32
      %lt3A = arith.constant 64 : i32
      %lt3A_73 = arith.cmpi slt, %add3A_72, %lt3A : i32
      %and3A = arith.andi %ge3A_70, %lt3A_73 : i1
      %convert_element_type3A = arith.extui %and3A : i1 to i32
      %cond3A = arith.constant 0 : i32
      %cond3A_74 = arith.cmpi ne, %convert_element_type3A, %cond3A : i32
      scf.if %cond3A_74 {
        %dma_wait3A_187 = arith.constant 0 : i32
        %dma_wait3A_188 = tpu.memref_slice %arg8[%sub3A_69, %dma_wait3A_187] : memref<64x100xi32, #tpu.memory_space<vmem>> -> memref<1x100xi32, #tpu.memory_space<vmem>>
        %dma_wait3A_189 = tpu.memref_squeeze %dma_wait3A_188 : memref<1x100xi32, #tpu.memory_space<vmem>> -> memref<100xi32, #tpu.memory_space<vmem>>
        %dma_wait3A_190 = arith.constant 0 : i32
        %dma_wait3A_191 = arith.constant 0 : i32
        %dma_wait3A_192 = tpu.memref_slice %arg14[%dma_wait3A_190, %dma_wait3A_191] : memref<2048x128xf32, #tpu.memory_space<vmem_shared>> -> memref<2048x128xf32, #tpu.memory_space<vmem_shared>>
        tpu.wait_indirect_dma semaphore(%arg21 : memref<!tpu.dma_semaphore, #tpu.memory_space<semaphore_mem>>) src(%arg11 : memref<100x128xf32, #tpu.memory_space<vmem>>) dst(%dma_wait3A_192 : memref<2048x128xf32, #tpu.memory_space<vmem_shared>>)
      } else {
      }
      %add3A_75 = arith.constant 2 : i32
      %add3A_76 = arith.addi %add3A_56, %add3A_75 : i32
      %lt3A_77 = arith.constant 64 : i32
      %lt3A_78 = arith.cmpi slt, %add3A_76, %lt3A_77 : i32
      %convert_element_type3A_79 = arith.extui %lt3A_78 : i1 to i32
      %cond3A_80 = arith.constant 0 : i32
      %cond3A_81 = arith.cmpi ne, %convert_element_type3A_79, %cond3A_80 : i32
      scf.if %cond3A_81 {
        %add3A_187 = arith.constant 2 : i32
        %add3A_188 = arith.addi %add3A_56, %add3A_187 : i32
        %dma_start3A_189 = arith.constant 0 : i32
        %dma_start3A_190 = tpu.memref_slice %arg7[%add3A_188, %dma_start3A_189] : memref<64x100xi32, #tpu.memory_space<vmem>> -> memref<1x100xi32, #tpu.memory_space<vmem>>
        %dma_start3A_191 = tpu.memref_squeeze %dma_start3A_190 : memref<1x100xi32, #tpu.memory_space<vmem>> -> memref<100xi32, #tpu.memory_space<vmem>>
        %dma_start3A_192 = arith.constant 0 : i32
        %dma_start3A_193 = arith.constant 0 : i32
        %dma_start3A_194 = tpu.memref_slice %arg5[%dma_start3A_192, %dma_start3A_193] : memref<1000000x128xf32, #tpu.memory_space<hbm>> -> memref<1000000x128xf32, #tpu.memory_space<hbm>>
        tpu.enqueue_indirect_dma source(%dma_start3A_194 : memref<1000000x128xf32, #tpu.memory_space<hbm>>) target(%arg11 : memref<100x128xf32, #tpu.memory_space<vmem>>) offsets(%dma_start3A_191 : memref<100xi32, #tpu.memory_space<vmem>>) semaphore(%arg17 : memref<!tpu.dma_semaphore, #tpu.memory_space<semaphore_mem>>)
      } else {
      }
      %mul3A_82 = arith.constant 4 : i32
      %mul3A_83 = arith.muli %scan3A_52, %mul3A_82 : i32
      %add3A_84 = arith.constant 1 : i32
      %add3A_85 = arith.addi %mul3A_83, %add3A_84 : i32
      %dma_wait3A_86 = arith.constant 0 : i32
      %dma_wait3A_87 = tpu.memref_slice %arg7[%add3A_85, %dma_wait3A_86] : memref<64x100xi32, #tpu.memory_space<vmem>> -> memref<1x100xi32, #tpu.memory_space<vmem>>
      %dma_wait3A_88 = tpu.memref_squeeze %dma_wait3A_87 : memref<1x100xi32, #tpu.memory_space<vmem>> -> memref<100xi32, #tpu.memory_space<vmem>>
      %dma_wait3A_89 = arith.constant 0 : i32
      %dma_wait3A_90 = arith.constant 0 : i32
      %dma_wait3A_91 = tpu.memref_slice %arg5[%dma_wait3A_89, %dma_wait3A_90] : memref<1000000x128xf32, #tpu.memory_space<hbm>> -> memref<1000000x128xf32, #tpu.memory_space<hbm>>
      tpu.wait_indirect_dma semaphore(%arg16 : memref<!tpu.dma_semaphore, #tpu.memory_space<semaphore_mem>>) src(%dma_wait3A_91 : memref<1000000x128xf32, #tpu.memory_space<hbm>>) dst(%arg10 : memref<100x128xf32, #tpu.memory_space<vmem>>)
      %dma_start3A_92 = arith.constant 0 : i32
      %dma_start3A_93 = tpu.memref_slice %arg8[%add3A_85, %dma_start3A_92] : memref<64x100xi32, #tpu.memory_space<vmem>> -> memref<1x100xi32, #tpu.memory_space<vmem>>
      %dma_start3A_94 = tpu.memref_squeeze %dma_start3A_93 : memref<1x100xi32, #tpu.memory_space<vmem>> -> memref<100xi32, #tpu.memory_space<vmem>>
      %dma_start3A_95 = arith.constant 0 : i32
      %dma_start3A_96 = arith.constant 0 : i32
      %dma_start3A_97 = tpu.memref_slice %arg14[%dma_start3A_95, %dma_start3A_96] : memref<2048x128xf32, #tpu.memory_space<vmem_shared>> -> memref<2048x128xf32, #tpu.memory_space<vmem_shared>>
      tpu.enqueue_indirect_dma source(%arg10 : memref<100x128xf32, #tpu.memory_space<vmem>>) target(%dma_start3A_97 : memref<2048x128xf32, #tpu.memory_space<vmem_shared>>) offsets(%dma_start3A_94 : memref<100xi32, #tpu.memory_space<vmem>>) semaphore(%arg20 : memref<!tpu.dma_semaphore, #tpu.memory_space<semaphore_mem>>) {add = true}
      %sub3A_98 = arith.constant 2 : i32
      %sub3A_99 = arith.subi %add3A_85, %sub3A_98 : i32
      %ge3A_100 = arith.constant 0 : i32
      %ge3A_101 = arith.cmpi sge, %sub3A_99, %ge3A_100 : i32
      %add3A_102 = arith.constant 2 : i32
      %add3A_103 = arith.addi %add3A_85, %add3A_102 : i32
      %lt3A_104 = arith.constant 64 : i32
      %lt3A_105 = arith.cmpi slt, %add3A_103, %lt3A_104 : i32
      %and3A_106 = arith.andi %ge3A_101, %lt3A_105 : i1
      %convert_element_type3A_107 = arith.extui %and3A_106 : i1 to i32
      %cond3A_108 = arith.constant 0 : i32
      %cond3A_109 = arith.cmpi ne, %convert_element_type3A_107, %cond3A_108 : i32
      scf.if %cond3A_109 {
        %dma_wait3A_187 = arith.constant 0 : i32
        %dma_wait3A_188 = tpu.memref_slice %arg8[%sub3A_99, %dma_wait3A_187] : memref<64x100xi32, #tpu.memory_space<vmem>> -> memref<1x100xi32, #tpu.memory_space<vmem>>
        %dma_wait3A_189 = tpu.memref_squeeze %dma_wait3A_188 : memref<1x100xi32, #tpu.memory_space<vmem>> -> memref<100xi32, #tpu.memory_space<vmem>>
        %dma_wait3A_190 = arith.constant 0 : i32
        %dma_wait3A_191 = arith.constant 0 : i32
        %dma_wait3A_192 = tpu.memref_slice %arg14[%dma_wait3A_190, %dma_wait3A_191] : memref<2048x128xf32, #tpu.memory_space<vmem_shared>> -> memref<2048x128xf32, #tpu.memory_space<vmem_shared>>
        tpu.wait_indirect_dma semaphore(%arg22 : memref<!tpu.dma_semaphore, #tpu.memory_space<semaphore_mem>>) src(%arg12 : memref<100x128xf32, #tpu.memory_space<vmem>>) dst(%dma_wait3A_192 : memref<2048x128xf32, #tpu.memory_space<vmem_shared>>)
      } else {
      }
      %add3A_110 = arith.constant 2 : i32
      %add3A_111 = arith.addi %add3A_85, %add3A_110 : i32
      %lt3A_112 = arith.constant 64 : i32
      %lt3A_113 = arith.cmpi slt, %add3A_111, %lt3A_112 : i32
      %convert_element_type3A_114 = arith.extui %lt3A_113 : i1 to i32
      %cond3A_115 = arith.constant 0 : i32
      %cond3A_116 = arith.cmpi ne, %convert_element_type3A_114, %cond3A_115 : i32
      scf.if %cond3A_116 {
        %add3A_187 = arith.constant 2 : i32
        %add3A_188 = arith.addi %add3A_85, %add3A_187 : i32
        %dma_start3A_189 = arith.constant 0 : i32
        %dma_start3A_190 = tpu.memref_slice %arg7[%add3A_188, %dma_start3A_189] : memref<64x100xi32, #tpu.memory_space<vmem>> -> memref<1x100xi32, #tpu.memory_space<vmem>>
        %dma_start3A_191 = tpu.memref_squeeze %dma_start3A_190 : memref<1x100xi32, #tpu.memory_space<vmem>> -> memref<100xi32, #tpu.memory_space<vmem>>
        %dma_start3A_192 = arith.constant 0 : i32
        %dma_start3A_193 = arith.constant 0 : i32
        %dma_start3A_194 = tpu.memref_slice %arg5[%dma_start3A_192, %dma_start3A_193] : memref<1000000x128xf32, #tpu.memory_space<hbm>> -> memref<1000000x128xf32, #tpu.memory_space<hbm>>
        tpu.enqueue_indirect_dma source(%dma_start3A_194 : memref<1000000x128xf32, #tpu.memory_space<hbm>>) target(%arg12 : memref<100x128xf32, #tpu.memory_space<vmem>>) offsets(%dma_start3A_191 : memref<100xi32, #tpu.memory_space<vmem>>) semaphore(%arg18 : memref<!tpu.dma_semaphore, #tpu.memory_space<semaphore_mem>>)
      } else {
      }
      %mul3A_117 = arith.constant 4 : i32
      %mul3A_118 = arith.muli %scan3A_52, %mul3A_117 : i32
      %add3A_119 = arith.constant 2 : i32
      %add3A_120 = arith.addi %mul3A_118, %add3A_119 : i32
      %dma_wait3A_121 = arith.constant 0 : i32
      %dma_wait3A_122 = tpu.memref_slice %arg7[%add3A_120, %dma_wait3A_121] : memref<64x100xi32, #tpu.memory_space<vmem>> -> memref<1x100xi32, #tpu.memory_space<vmem>>
      %dma_wait3A_123 = tpu.memref_squeeze %dma_wait3A_122 : memref<1x100xi32, #tpu.memory_space<vmem>> -> memref<100xi32, #tpu.memory_space<vmem>>
      %dma_wait3A_124 = arith.constant 0 : i32
      %dma_wait3A_125 = arith.constant 0 : i32
      %dma_wait3A_126 = tpu.memref_slice %arg5[%dma_wait3A_124, %dma_wait3A_125] : memref<1000000x128xf32, #tpu.memory_space<hbm>> -> memref<1000000x128xf32, #tpu.memory_space<hbm>>
      tpu.wait_indirect_dma semaphore(%arg17 : memref<!tpu.dma_semaphore, #tpu.memory_space<semaphore_mem>>) src(%dma_wait3A_126 : memref<1000000x128xf32, #tpu.memory_space<hbm>>) dst(%arg11 : memref<100x128xf32, #tpu.memory_space<vmem>>)
      %dma_start3A_127 = arith.constant 0 : i32
      %dma_start3A_128 = tpu.memref_slice %arg8[%add3A_120, %dma_start3A_127] : memref<64x100xi32, #tpu.memory_space<vmem>> -> memref<1x100xi32, #tpu.memory_space<vmem>>
      %dma_start3A_129 = tpu.memref_squeeze %dma_start3A_128 : memref<1x100xi32, #tpu.memory_space<vmem>> -> memref<100xi32, #tpu.memory_space<vmem>>
      %dma_start3A_130 = arith.constant 0 : i32
      %dma_start3A_131 = arith.constant 0 : i32
      %dma_start3A_132 = tpu.memref_slice %arg14[%dma_start3A_130, %dma_start3A_131] : memref<2048x128xf32, #tpu.memory_space<vmem_shared>> -> memref<2048x128xf32, #tpu.memory_space<vmem_shared>>
      tpu.enqueue_indirect_dma source(%arg11 : memref<100x128xf32, #tpu.memory_space<vmem>>) target(%dma_start3A_132 : memref<2048x128xf32, #tpu.memory_space<vmem_shared>>) offsets(%dma_start3A_129 : memref<100xi32, #tpu.memory_space<vmem>>) semaphore(%arg21 : memref<!tpu.dma_semaphore, #tpu.memory_space<semaphore_mem>>) {add = true}
      %sub3A_133 = arith.constant 2 : i32
      %sub3A_134 = arith.subi %add3A_120, %sub3A_133 : i32
      %ge3A_135 = arith.constant 0 : i32
      %ge3A_136 = arith.cmpi sge, %sub3A_134, %ge3A_135 : i32
      %add3A_137 = arith.constant 2 : i32
      %add3A_138 = arith.addi %add3A_120, %add3A_137 : i32
      %lt3A_139 = arith.constant 64 : i32
      %lt3A_140 = arith.cmpi slt, %add3A_138, %lt3A_139 : i32
      %and3A_141 = arith.andi %ge3A_136, %lt3A_140 : i1
      %convert_element_type3A_142 = arith.extui %and3A_141 : i1 to i32
      %cond3A_143 = arith.constant 0 : i32
      %cond3A_144 = arith.cmpi ne, %convert_element_type3A_142, %cond3A_143 : i32
      scf.if %cond3A_144 {
        %dma_wait3A_187 = arith.constant 0 : i32
        %dma_wait3A_188 = tpu.memref_slice %arg8[%sub3A_134, %dma_wait3A_187] : memref<64x100xi32, #tpu.memory_space<vmem>> -> memref<1x100xi32, #tpu.memory_space<vmem>>
        %dma_wait3A_189 = tpu.memref_squeeze %dma_wait3A_188 : memref<1x100xi32, #tpu.memory_space<vmem>> -> memref<100xi32, #tpu.memory_space<vmem>>
        %dma_wait3A_190 = arith.constant 0 : i32
        %dma_wait3A_191 = arith.constant 0 : i32
        %dma_wait3A_192 = tpu.memref_slice %arg14[%dma_wait3A_190, %dma_wait3A_191] : memref<2048x128xf32, #tpu.memory_space<vmem_shared>> -> memref<2048x128xf32, #tpu.memory_space<vmem_shared>>
        tpu.wait_indirect_dma semaphore(%arg19 : memref<!tpu.dma_semaphore, #tpu.memory_space<semaphore_mem>>) src(%arg9 : memref<100x128xf32, #tpu.memory_space<vmem>>) dst(%dma_wait3A_192 : memref<2048x128xf32, #tpu.memory_space<vmem_shared>>)
      } else {
      }
      %add3A_145 = arith.constant 2 : i32
      %add3A_146 = arith.addi %add3A_120, %add3A_145 : i32
      %lt3A_147 = arith.constant 64 : i32
      %lt3A_148 = arith.cmpi slt, %add3A_146, %lt3A_147 : i32
      %convert_element_type3A_149 = arith.extui %lt3A_148 : i1 to i32
      %cond3A_150 = arith.constant 0 : i32
      %cond3A_151 = arith.cmpi ne, %convert_element_type3A_149, %cond3A_150 : i32
      scf.if %cond3A_151 {
        %add3A_187 = arith.constant 2 : i32
        %add3A_188 = arith.addi %add3A_120, %add3A_187 : i32
        %dma_start3A_189 = arith.constant 0 : i32
        %dma_start3A_190 = tpu.memref_slice %arg7[%add3A_188, %dma_start3A_189] : memref<64x100xi32, #tpu.memory_space<vmem>> -> memref<1x100xi32, #tpu.memory_space<vmem>>
        %dma_start3A_191 = tpu.memref_squeeze %dma_start3A_190 : memref<1x100xi32, #tpu.memory_space<vmem>> -> memref<100xi32, #tpu.memory_space<vmem>>
        %dma_start3A_192 = arith.constant 0 : i32
        %dma_start3A_193 = arith.constant 0 : i32
        %dma_start3A_194 = tpu.memref_slice %arg5[%dma_start3A_192, %dma_start3A_193] : memref<1000000x128xf32, #tpu.memory_space<hbm>> -> memref<1000000x128xf32, #tpu.memory_space<hbm>>
        tpu.enqueue_indirect_dma source(%dma_start3A_194 : memref<1000000x128xf32, #tpu.memory_space<hbm>>) target(%arg9 : memref<100x128xf32, #tpu.memory_space<vmem>>) offsets(%dma_start3A_191 : memref<100xi32, #tpu.memory_space<vmem>>) semaphore(%arg15 : memref<!tpu.dma_semaphore, #tpu.memory_space<semaphore_mem>>)
      } else {
      }
      %mul3A_152 = arith.constant 4 : i32
      %mul3A_153 = arith.muli %scan3A_52, %mul3A_152 : i32
      %add3A_154 = arith.constant 3 : i32
      %add3A_155 = arith.addi %mul3A_153, %add3A_154 : i32
      %dma_wait3A_156 = arith.constant 0 : i32
      %dma_wait3A_157 = tpu.memref_slice %arg7[%add3A_155, %dma_wait3A_156] : memref<64x100xi32, #tpu.memory_space<vmem>> -> memref<1x100xi32, #tpu.memory_space<vmem>>
      %dma_wait3A_158 = tpu.memref_squeeze %dma_wait3A_157 : memref<1x100xi32, #tpu.memory_space<vmem>> -> memref<100xi32, #tpu.memory_space<vmem>>
      %dma_wait3A_159 = arith.constant 0 : i32
      %dma_wait3A_160 = arith.constant 0 : i32
      %dma_wait3A_161 = tpu.memref_slice %arg5[%dma_wait3A_159, %dma_wait3A_160] : memref<1000000x128xf32, #tpu.memory_space<hbm>> -> memref<1000000x128xf32, #tpu.memory_space<hbm>>
      tpu.wait_indirect_dma semaphore(%arg18 : memref<!tpu.dma_semaphore, #tpu.memory_space<semaphore_mem>>) src(%dma_wait3A_161 : memref<1000000x128xf32, #tpu.memory_space<hbm>>) dst(%arg12 : memref<100x128xf32, #tpu.memory_space<vmem>>)
      %dma_start3A_162 = arith.constant 0 : i32
      %dma_start3A_163 = tpu.memref_slice %arg8[%add3A_155, %dma_start3A_162] : memref<64x100xi32, #tpu.memory_space<vmem>> -> memref<1x100xi32, #tpu.memory_space<vmem>>
      %dma_start3A_164 = tpu.memref_squeeze %dma_start3A_163 : memref<1x100xi32, #tpu.memory_space<vmem>> -> memref<100xi32, #tpu.memory_space<vmem>>
      %dma_start3A_165 = arith.constant 0 : i32
      %dma_start3A_166 = arith.constant 0 : i32
      %dma_start3A_167 = tpu.memref_slice %arg14[%dma_start3A_165, %dma_start3A_166] : memref<2048x128xf32, #tpu.memory_space<vmem_shared>> -> memref<2048x128xf32, #tpu.memory_space<vmem_shared>>
      tpu.enqueue_indirect_dma source(%arg12 : memref<100x128xf32, #tpu.memory_space<vmem>>) target(%dma_start3A_167 : memref<2048x128xf32, #tpu.memory_space<vmem_shared>>) offsets(%dma_start3A_164 : memref<100xi32, #tpu.memory_space<vmem>>) semaphore(%arg22 : memref<!tpu.dma_semaphore, #tpu.memory_space<semaphore_mem>>) {add = true}
      %sub3A_168 = arith.constant 2 : i32
      %sub3A_169 = arith.subi %add3A_155, %sub3A_168 : i32
      %ge3A_170 = arith.constant 0 : i32
      %ge3A_171 = arith.cmpi sge, %sub3A_169, %ge3A_170 : i32
      %add3A_172 = arith.constant 2 : i32
      %add3A_173 = arith.addi %add3A_155, %add3A_172 : i32
      %lt3A_174 = arith.constant 64 : i32
      %lt3A_175 = arith.cmpi slt, %add3A_173, %lt3A_174 : i32
      %and3A_176 = arith.andi %ge3A_171, %lt3A_175 : i1
      %convert_element_type3A_177 = arith.extui %and3A_176 : i1 to i32
      %cond3A_178 = arith.constant 0 : i32
      %cond3A_179 = arith.cmpi ne, %convert_element_type3A_177, %cond3A_178 : i32
      scf.if %cond3A_179 {
        %dma_wait3A_187 = arith.constant 0 : i32
        %dma_wait3A_188 = tpu.memref_slice %arg8[%sub3A_169, %dma_wait3A_187] : memref<64x100xi32, #tpu.memory_space<vmem>> -> memref<1x100xi32, #tpu.memory_space<vmem>>
        %dma_wait3A_189 = tpu.memref_squeeze %dma_wait3A_188 : memref<1x100xi32, #tpu.memory_space<vmem>> -> memref<100xi32, #tpu.memory_space<vmem>>
        %dma_wait3A_190 = arith.constant 0 : i32
        %dma_wait3A_191 = arith.constant 0 : i32
        %dma_wait3A_192 = tpu.memref_slice %arg14[%dma_wait3A_190, %dma_wait3A_191] : memref<2048x128xf32, #tpu.memory_space<vmem_shared>> -> memref<2048x128xf32, #tpu.memory_space<vmem_shared>>
        tpu.wait_indirect_dma semaphore(%arg20 : memref<!tpu.dma_semaphore, #tpu.memory_space<semaphore_mem>>) src(%arg10 : memref<100x128xf32, #tpu.memory_space<vmem>>) dst(%dma_wait3A_192 : memref<2048x128xf32, #tpu.memory_space<vmem_shared>>)
      } else {
      }
      %add3A_180 = arith.constant 2 : i32
      %add3A_181 = arith.addi %add3A_155, %add3A_180 : i32
      %lt3A_182 = arith.constant 64 : i32
      %lt3A_183 = arith.cmpi slt, %add3A_181, %lt3A_182 : i32
      %convert_element_type3A_184 = arith.extui %lt3A_183 : i1 to i32
      %cond3A_185 = arith.constant 0 : i32
      %cond3A_186 = arith.cmpi ne, %convert_element_type3A_184, %cond3A_185 : i32
      scf.if %cond3A_186 {
        %add3A_187 = arith.constant 2 : i32
        %add3A_188 = arith.addi %add3A_155, %add3A_187 : i32
        %dma_start3A_189 = arith.constant 0 : i32
        %dma_start3A_190 = tpu.memref_slice %arg7[%add3A_188, %dma_start3A_189] : memref<64x100xi32, #tpu.memory_space<vmem>> -> memref<1x100xi32, #tpu.memory_space<vmem>>
        %dma_start3A_191 = tpu.memref_squeeze %dma_start3A_190 : memref<1x100xi32, #tpu.memory_space<vmem>> -> memref<100xi32, #tpu.memory_space<vmem>>
        %dma_start3A_192 = arith.constant 0 : i32
        %dma_start3A_193 = arith.constant 0 : i32
        %dma_start3A_194 = tpu.memref_slice %arg5[%dma_start3A_192, %dma_start3A_193] : memref<1000000x128xf32, #tpu.memory_space<hbm>> -> memref<1000000x128xf32, #tpu.memory_space<hbm>>
        tpu.enqueue_indirect_dma source(%dma_start3A_194 : memref<1000000x128xf32, #tpu.memory_space<hbm>>) target(%arg10 : memref<100x128xf32, #tpu.memory_space<vmem>>) offsets(%dma_start3A_191 : memref<100xi32, #tpu.memory_space<vmem>>) semaphore(%arg16 : memref<!tpu.dma_semaphore, #tpu.memory_space<semaphore_mem>>)
      } else {
      }
    }
    %scan3A_20 = arith.constant 16 : i32
    %dma_wait3A = arith.constant 60 : i32
    %dma_wait3A_21 = arith.constant 0 : i32
    %dma_wait3A_22 = tpu.memref_slice %arg8[%dma_wait3A, %dma_wait3A_21] : memref<64x100xi32, #tpu.memory_space<vmem>> -> memref<1x100xi32, #tpu.memory_space<vmem>>
    %dma_wait3A_23 = tpu.memref_squeeze %dma_wait3A_22 : memref<1x100xi32, #tpu.memory_space<vmem>> -> memref<100xi32, #tpu.memory_space<vmem>>
    %dma_wait3A_24 = arith.constant 0 : i32
    %dma_wait3A_25 = arith.constant 0 : i32
    %dma_wait3A_26 = tpu.memref_slice %arg14[%dma_wait3A_24, %dma_wait3A_25] : memref<2048x128xf32, #tpu.memory_space<vmem_shared>> -> memref<2048x128xf32, #tpu.memory_space<vmem_shared>>
    tpu.wait_indirect_dma semaphore(%arg19 : memref<!tpu.dma_semaphore, #tpu.memory_space<semaphore_mem>>) src(%arg9 : memref<100x128xf32, #tpu.memory_space<vmem>>) dst(%dma_wait3A_26 : memref<2048x128xf32, #tpu.memory_space<vmem_shared>>)
    %dma_wait3A_27 = arith.constant 61 : i32
    %dma_wait3A_28 = arith.constant 0 : i32
    %dma_wait3A_29 = tpu.memref_slice %arg8[%dma_wait3A_27, %dma_wait3A_28] : memref<64x100xi32, #tpu.memory_space<vmem>> -> memref<1x100xi32, #tpu.memory_space<vmem>>
    %dma_wait3A_30 = tpu.memref_squeeze %dma_wait3A_29 : memref<1x100xi32, #tpu.memory_space<vmem>> -> memref<100xi32, #tpu.memory_space<vmem>>
    %dma_wait3A_31 = arith.constant 0 : i32
    %dma_wait3A_32 = arith.constant 0 : i32
    %dma_wait3A_33 = tpu.memref_slice %arg14[%dma_wait3A_31, %dma_wait3A_32] : memref<2048x128xf32, #tpu.memory_space<vmem_shared>> -> memref<2048x128xf32, #tpu.memory_space<vmem_shared>>
    tpu.wait_indirect_dma semaphore(%arg20 : memref<!tpu.dma_semaphore, #tpu.memory_space<semaphore_mem>>) src(%arg10 : memref<100x128xf32, #tpu.memory_space<vmem>>) dst(%dma_wait3A_33 : memref<2048x128xf32, #tpu.memory_space<vmem_shared>>)
    %dma_wait3A_34 = arith.constant 62 : i32
    %dma_wait3A_35 = arith.constant 0 : i32
    %dma_wait3A_36 = tpu.memref_slice %arg8[%dma_wait3A_34, %dma_wait3A_35] : memref<64x100xi32, #tpu.memory_space<vmem>> -> memref<1x100xi32, #tpu.memory_space<vmem>>
    %dma_wait3A_37 = tpu.memref_squeeze %dma_wait3A_36 : memref<1x100xi32, #tpu.memory_space<vmem>> -> memref<100xi32, #tpu.memory_space<vmem>>
    %dma_wait3A_38 = arith.constant 0 : i32
    %dma_wait3A_39 = arith.constant 0 : i32
    %dma_wait3A_40 = tpu.memref_slice %arg14[%dma_wait3A_38, %dma_wait3A_39] : memref<2048x128xf32, #tpu.memory_space<vmem_shared>> -> memref<2048x128xf32, #tpu.memory_space<vmem_shared>>
    tpu.wait_indirect_dma semaphore(%arg21 : memref<!tpu.dma_semaphore, #tpu.memory_space<semaphore_mem>>) src(%arg11 : memref<100x128xf32, #tpu.memory_space<vmem>>) dst(%dma_wait3A_40 : memref<2048x128xf32, #tpu.memory_space<vmem_shared>>)
    %dma_wait3A_41 = arith.constant 63 : i32
    %dma_wait3A_42 = arith.constant 0 : i32
    %dma_wait3A_43 = tpu.memref_slice %arg8[%dma_wait3A_41, %dma_wait3A_42] : memref<64x100xi32, #tpu.memory_space<vmem>> -> memref<1x100xi32, #tpu.memory_space<vmem>>
    %dma_wait3A_44 = tpu.memref_squeeze %dma_wait3A_43 : memref<1x100xi32, #tpu.memory_space<vmem>> -> memref<100xi32, #tpu.memory_space<vmem>>
    %dma_wait3A_45 = arith.constant 0 : i32
    %dma_wait3A_46 = arith.constant 0 : i32
    %dma_wait3A_47 = tpu.memref_slice %arg14[%dma_wait3A_45, %dma_wait3A_46] : memref<2048x128xf32, #tpu.memory_space<vmem_shared>> -> memref<2048x128xf32, #tpu.memory_space<vmem_shared>>
    tpu.wait_indirect_dma semaphore(%arg22 : memref<!tpu.dma_semaphore, #tpu.memory_space<semaphore_mem>>) src(%arg12 : memref<100x128xf32, #tpu.memory_space<vmem>>) dst(%dma_wait3A_47 : memref<2048x128xf32, #tpu.memory_space<vmem_shared>>)
    %mul3A_48 = arith.constant 128 : i32
    %mul3A_49 = arith.muli %arg1, %mul3A_48 : i32
    "tpu.region"() ({
      %run_scoped3A = tpu.sem_alloc : memref<!tpu.dma_semaphore, #tpu.memory_space<semaphore_mem>>
      %dma_start3A_52 = arith.constant 0 : i32
      %dma_start3A_53 = tpu.memref_slice %arg14[%mul3A_49, %dma_start3A_52] : memref<2048x128xf32, #tpu.memory_space<vmem_shared>> -> memref<128x128xf32, #tpu.memory_space<vmem_shared>>
      %dma_start3A_54 = arith.constant 0 : i32
      %dma_start3A_55 = tpu.memref_slice %arg14[%mul3A_49, %dma_start3A_54] : memref<2048x128xf32, #tpu.memory_space<vmem_shared>> -> memref<128x128xf32, #tpu.memory_space<vmem_shared>>
      tpu.enqueue_dma source(%dma_start3A_55 : memref<128x128xf32, #tpu.memory_space<vmem_shared>>) target(%arg13 : memref<128x128xf32, #tpu.memory_space<vmem>>) target_semaphore(%run_scoped3A : memref<!tpu.dma_semaphore, #tpu.memory_space<semaphore_mem>>)
      %dma_wait3A_56 = arith.constant 0 : i32
      %dma_wait3A_57 = tpu.memref_slice %arg14[%mul3A_49, %dma_wait3A_56] : memref<2048x128xf32, #tpu.memory_space<vmem_shared>> -> memref<128x128xf32, #tpu.memory_space<vmem_shared>>
      %dma_wait3A_58 = arith.constant 0 : i32
      %dma_wait3A_59 = tpu.memref_slice %arg14[%mul3A_49, %dma_wait3A_58] : memref<2048x128xf32, #tpu.memory_space<vmem_shared>> -> memref<128x128xf32, #tpu.memory_space<vmem_shared>>
      tpu.wait_dma2 semaphore(%run_scoped3A : memref<!tpu.dma_semaphore, #tpu.memory_space<semaphore_mem>>) src(%dma_wait3A_59 : memref<128x128xf32, #tpu.memory_space<vmem_shared>>) dst(%arg13 : memref<128x128xf32, #tpu.memory_space<vmem>>)
      tpu.yield
    }) : () -> ()
    %mul3A_50 = arith.constant 128 : i32
    %mul3A_51 = arith.muli %add3A, %mul3A_50 : i32
    "tpu.region"() ({
      %run_scoped3A = tpu.sem_alloc : memref<!tpu.dma_semaphore, #tpu.memory_space<semaphore_mem>>
      %dma_start3A_52 = arith.constant 0 : i32
      %dma_start3A_53 = tpu.memref_slice %arg6[%mul3A_51, %dma_start3A_52] : memref<4096x128xf32, #tpu.memory_space<hbm>> -> memref<128x128xf32, #tpu.memory_space<hbm>>
      %dma_start3A_54 = arith.constant 0 : i32
      %dma_start3A_55 = tpu.memref_slice %arg6[%mul3A_51, %dma_start3A_54] : memref<4096x128xf32, #tpu.memory_space<hbm>> -> memref<128x128xf32, #tpu.memory_space<hbm>>
      tpu.enqueue_dma source(%arg13 : memref<128x128xf32, #tpu.memory_space<vmem>>) target(%dma_start3A_55 : memref<128x128xf32, #tpu.memory_space<hbm>>) target_semaphore(%run_scoped3A : memref<!tpu.dma_semaphore, #tpu.memory_space<semaphore_mem>>)
      %dma_wait3A_56 = arith.constant 0 : i32
      %dma_wait3A_57 = tpu.memref_slice %arg6[%mul3A_51, %dma_wait3A_56] : memref<4096x128xf32, #tpu.memory_space<hbm>> -> memref<128x128xf32, #tpu.memory_space<hbm>>
      %dma_wait3A_58 = arith.constant 0 : i32
      %dma_wait3A_59 = tpu.memref_slice %arg6[%mul3A_51, %dma_wait3A_58] : memref<4096x128xf32, #tpu.memory_space<hbm>> -> memref<128x128xf32, #tpu.memory_space<hbm>>
      tpu.wait_dma2 semaphore(%run_scoped3A : memref<!tpu.dma_semaphore, #tpu.memory_space<semaphore_mem>>) src(%arg13 : memref<128x128xf32, #tpu.memory_space<vmem>>) dst(%dma_wait3A_59 : memref<128x128xf32, #tpu.memory_space<hbm>>)
      tpu.yield
    }) : () -> ()
    return
  }
}

module attributes {stable_mosaic.version = 14 : i64} {
  func.func @_linear_body(%arg0: memref<4096x128xf32, #tpu.memory_space<vmem>>, %arg1: memref<128x2xf32, #tpu.memory_space<vmem>>, %arg2: memref<1x2xf32, #tpu.memory_space<vmem>>, %arg3: memref<4096x2xf32, #tpu.memory_space<vmem>>) attributes {dimension_semantics = [], scalar_prefetch = 0 : i64, scratch_operands = 0 : i64, tpu.core_type = #tpu.core_type<tc>} {
    %get3A = arith.constant 0 : index
    %get3A_0 = arith.constant 0 : index
    %get3A_1 = vector.load %arg0[%get3A, %get3A_0] : memref<4096x128xf32, #tpu.memory_space<vmem>>, vector<4096x128xf32>
    %get3A_2 = arith.constant 0 : index
    %get3A_3 = arith.constant 0 : index
    %get3A_4 = vector.load %arg1[%get3A_2, %get3A_3] : memref<128x2xf32, #tpu.memory_space<vmem>>, vector<128x2xf32>
    %dot_general3A = arith.constant dense<0.000000e+00> : vector<4096x2xf32>
    %dot_general3A_5 = tpu.matmul %get3A_1, %get3A_4, %dot_general3A {dimension_numbers = #tpu.dot_dimension_numbers<[1], [0], [0], [1], [0, 0, 1, 1], [], []>, transpose_lhs_hint = false} : vector<4096x128xf32>, vector<128x2xf32>, vector<4096x2xf32> -> vector<4096x2xf32>
    %get3A_6 = arith.constant 0 : index
    %get3A_7 = arith.constant 0 : index
    %get3A_8 = vector.load %arg2[%get3A_6, %get3A_7] : memref<1x2xf32, #tpu.memory_space<vmem>>, vector<1x2xf32>
    %add3A = vector.broadcast %get3A_8 : vector<1x2xf32> to vector<4096x2xf32>
    %add3A_9 = arith.addf %dot_general3A_5, %add3A : vector<4096x2xf32>
    %swap3A = arith.constant 0 : index
    %swap3A_10 = arith.constant 0 : index
    %swap3A_11 = vector.load %arg3[%swap3A, %swap3A_10] : memref<4096x2xf32, #tpu.memory_space<vmem>>, vector<4096x2xf32>
    tpu.vector_store %arg3[%swap3A, %swap3A_10], %add3A_9 {strides = array<i32>} : memref<4096x2xf32, #tpu.memory_space<vmem>>, vector<4096x2xf32>,
    return
  }
}

</mosaic_0001>

<sc_bundles>
// kernel: kernel.4.cloned.1.call-start
scs
__scs_entry_jumppad:
0x0: {  	(pc) =	sbr.rel $0x88, $3  }
0x1: {  	(tag) =	ssettag $0x0;
	lr =	simm.s32 $0x1  }
0x2: {  	[smem:$0x3F9D] =	sst lr;
	_ =	strace $0xD0000000  }
0x3: {  	_ = 	snop  }
0x4: {  	_ = 	snop  }
0x5: {  	_ = 	snop  }
0x6: {  	_ = 	snop  }
0x7: {  	_ = 	snop  }
__scs_overlays_trampoline_lowered:
0x8: {  	[smem:$0x3FAC] =	sst s0  }
0x9: {  	[smem:$0x3FAD] =	sst s1  }
0xa: {  	[smem:$0x3FAE] =	sst s2  }
0xb: {  	[smem:$0x3FAF] =	sst s3  }
0xc: {  	[smem:$0x3FB0] =	sst s4  }
0xd: {  	[smem:$0x3FB1] =	sst s5  }
0xe: {  	[smem:$0x3FB2] =	sst s6  }
0xf: {  	[smem:$0x3FB3] =	sst s7  }
0x10: {  	[smem:$0x3FB4] =	sst s8  }
0x11: {  	[smem:$0x3FB5] =	sst s9;
	s0 =	simm.s32 @!p0 $0x0  }
0x12: {  	s1 =	sld [smem:$0x3F9B];
	s0 =	simm.s32 @p0 $0x1  }
0x13: {  	[smem:$0x3FB6] =	sst s0;
	s0 =	simm.s32 @!p1 $0x0  }
0x14: {  	s2 =	sld [smem:$0x3F9A];
	s0 =	simm.s32 @p1 $0x1  }
0x15: {  	[smem:$0x3FB7] =	sst s0;
	s0 =	simm.s32 @!p2 $0x0  }
0x16: {  	s3 =	sld [smem:$0x3FDB];
	s0 =	simm.s32 @p2 $0x1  }
0x17: {  	s4 =	simm.s32 $0x1BF5;
	[smem:$0x3FB9] =	sst s0  }
0x18: {  	s0 =	sld [smem:$0x3F9C];
	_ =	swait.ge [sflag:s4], $0x0  }
0x19: {  	s7 =	sld [smem:$0x3F9D]  }
0x1a: {  	s8 =	sadd.s32 $0xFFFFE003, lr  }
0x1b: {  	s9 =	sadd.s32 $0xFFFFFEF7, lr;
	s5 =	simm.s32 $0xFFFFFFFF;
	p2 =	slt.u32 s8, $0xFFFFF086  }
0x1c: {  	p1 =	slt.u32 s9, $0xF7A;
	s5 =	simm.s32 @!p2 $0x0  }
0x1d: {  	s5 =	simm.s32 @p1 $0x1;
	p0 =	seq.s32 s7, s2  }
0x1e: {  	s7 =	smul.u32 @!p0 $0xF7A, s2;
	p2 =	seq.s32 @!p0 s5, $0x0  }
0x1f: {  	s9 =	smul.u32 $0xF7A, s1;
	s8 =	simm.s32 @!p0 $0x1BF5;
	p2 =	por !p2, p0  }
0x20: {  	[sflag:s8] =	ssyncset.s32 @!p0 $0xFFFFF086;
	s6 =	sadd.s32 @!p0 s3, s7;
	s7 =	simm.s32 @!p0 $0x108  }
0x21: {  	s3 =	sadd.s32 s3, s9;
	s6 =	sadd.s32 @!p0 $0x88, s6;
	s7 =	simm.s32 @p2 $0x1082  }
0x22: {  	[simem:s7], [sflag:s8] =	dma.local @!p0 [hbm:s6], $0xF7A  }
0x23: {  	s9 =	sor.u32 $0xD0000000, s2;
	s6 =	simm.s32 $0x108;
	_ =	swait.ge @!p0 [sflag:s8], $0x0  }
0x24: {  	s3 =	sadd.s32 $0x88, s3;
	s6 =	simm.s32 @!p1 $0x1082;
	[sflag:s4] =	ssyncset.s32 $0xFFFFF086  }
0x25: {  	[simem:s6], [sflag:s4] =	dma.local [hbm:s3], $0xF7A  }
0x26: {  	[smem:$0x3F9D] =	sst s1;
	(tag) =	ssettag s2;
	_ =	strace s9  }
0x27: {  	s1 =	sld [smem:$0x3FAD]  }
0x28: {  	s2 =	sld [smem:$0x3FAE]  }
0x29: {  	s4 =	sld [smem:$0x3FB0]  }
0x2a: {  	p0 =	seq.s32 s5, $0x0;
	s5 =	sld [smem:$0x3FB1]  }
0x2b: {  	s6 =	sld [smem:$0x3FB2]  }
0x2c: {  	s7 =	sld [smem:$0x3FB3]  }
0x2d: {  	s3 =	simm.s32 $0x108;
	s8 =	sld [smem:$0x3FB4]  }
0x2e: {  	s3 =	simm.s32 @!p0 $0x1082;
	s9 =	sld [smem:$0x3FB5]  }
0x2f: {  	lr =	sadd.s32 s0, s3;
	s0 =	sld [smem:$0x3FAC]  }
0x30: {  	s3 =	sld [smem:$0x3FAF]  }
0x31: {  	[smem:$0x3FB8] =	sst s10  }
0x32: {  	s10 =	sld [smem:$0x3FB6];
	_ =	sdelay $0x3  }
0x33: {  	p0 =	seq.s32 s10, $0x1;
	s10 =	sld [smem:$0x3FB8];
	_ =	sdelay $0x3  }
0x34: {  	[smem:$0x3FB8] =	sst s10  }
0x35: {  	s10 =	sld [smem:$0x3FB7];
	_ =	sdelay $0x3  }
0x36: {  	p1 =	seq.s32 s10, $0x1;
	s10 =	sld [smem:$0x3FB8];
	_ =	sdelay $0x3  }
0x37: {  	[smem:$0x3FB8] =	sst s10  }
0x38: {  	s10 =	sld [smem:$0x3FB9]  }
0x39: {  	_ = 	snop;
	(pc) =	sbr.ind lr, $3  }
0x3a: {  	_ = 	snop  }
0x3b: {  	_ = 	snop  }
0x3c: {  	p2 =	seq.s32 s10, $0x1;
	s10 =	sld [smem:$0x3FB8]  }
0x3d: {  	_ =	shalt  }
0x3e: {  	_ =	shalt  }
0x3f: {  	_ =	shalt  }
0x40: {  	_ =	shalt  }
0x41: {  	_ =	shalt  }
0x42: {  	_ =	shalt  }
0x43: {  	_ =	shalt  }
0x44: {  	_ =	shalt  }
0x45: {  	_ =	shalt  }
0x46: {  	_ =	shalt  }
0x47: {  	_ =	shalt  }
0x48: {  	_ =	shalt  }
0x49: {  	_ =	shalt  }
0x4a: {  	_ =	shalt  }
0x4b: {  	_ =	shalt  }
0x4c: {  	_ =	shalt  }
0x4d: {  	_ =	shalt  }
0x4e: {  	_ =	shalt  }
0x4f: {  	_ =	shalt  }
0x50: {  	_ =	shalt  }
0x51: {  	_ =	shalt  }
0x52: {  	_ =	shalt  }
0x53: {  	_ =	shalt  }
0x54: {  	_ =	shalt  }
0x55: {  	_ =	shalt  }
0x56: {  	_ =	shalt  }
0x57: {  	_ =	shalt  }
0x58: {  	_ =	shalt  }
0x59: {  	_ =	shalt  }
0x5a: {  	_ =	shalt  }
0x5b: {  	_ =	shalt  }
0x5c: {  	_ =	shalt  }
0x5d: {  	_ =	shalt  }
0x5e: {  	_ =	shalt  }
0x5f: {  	_ =	shalt  }
0x60: {  	_ =	shalt  }
0x61: {  	_ =	shalt  }
0x62: {  	_ =	shalt  }
0x63: {  	_ =	shalt  }
0x64: {  	_ =	shalt  }
0x65: {  	_ =	shalt  }
0x66: {  	_ =	shalt  }
0x67: {  	_ =	shalt  }
0x68: {  	_ =	shalt  }
0x69: {  	_ =	shalt  }
0x6a: {  	_ =	shalt  }
0x6b: {  	_ =	shalt  }
0x6c: {  	_ =	shalt  }
0x6d: {  	_ =	shalt  }
0x6e: {  	_ =	shalt  }
0x6f: {  	_ =	shalt  }
0x70: {  	_ =	shalt  }
0x71: {  	_ =	shalt  }
0x72: {  	_ =	shalt  }
0x73: {  	_ =	shalt  }
0x74: {  	_ =	shalt  }
0x75: {  	_ =	shalt  }
0x76: {  	_ =	shalt  }
0x77: {  	_ =	shalt  }
0x78: {  	_ =	shalt  }
0x79: {  	_ =	shalt  }
0x7a: {  	_ =	shalt  }
0x7b: {  	_ =	shalt  }
0x7c: {  	_ =	shalt  }
0x7d: {  	_ =	shalt  }
0x7e: {  	_ =	shalt  }
0x7f: {  	_ =	shalt  }
0x80: {  	_ =	shalt  }
0x81: {  	_ =	shalt  }
0x82: {  	_ =	shalt  }
0x83: {  	_ =	shalt  }
0x84: {  	_ =	shalt  }
0x85: {  	_ =	shalt  }
0x86: {  	_ =	shalt  }
0x87: {  	_ =	shalt  }
.Lfunc_end0:
.L_simem_size_0:
called_computation_lowered:
.L_overlay_start_0:
0x88: {  	s2 =	sld [smem:$0x3FD9]  }
0x89: {  	s3 =	sld [smem:$0x3FFE];
	_ =	sdelay $0x1  }
0x8a: {  	s1 =	srdreg.scid  }
0x8b: {  	s0 =	sand.u32 $0x1, s1  }
0x8c: {  	s17 =	sshll.u32 s0, $0xA;
	s2 =	sadd.s32 s3, s2  }
0x8d: {  	s2 =	sadd.s32 s2, s17  }
0x8e: {  	[smem:$0x3FC4] =	sst s2  }
0x8f: {  	_ = 	snop  }
0x90: {  	s2 =	sld [smem:$0x3FC8];
	(tm) =	ssettm $0x1  }
0x91: {  	s18 =	sld [smem:$0x3FFB];
	_ =	sdelay $0x3  }
0x92: {  	_ =	strace s18  }
0x93: {  	s3 =	sld [smem:$0x3FFC];
	_ =	sdelay $0x3  }
0x94: {  	_ =	strace s3  }
0x95: {  	s3 =	sld [smem:$0x3FFD];
	_ =	sdelay $0x3  }
0x96: {  	_ =	strace s3  }
0x97: {  	_ =	strace $0x8FFFFFFF  }
0x98: {  	s19 =	sld [smem:$0x3FDB];
	_ =	sdelay $0x1  }
0x99: {  	s4 =	simm.s32 $_scs_section_size  }
0x9a: {  	s5 =	simm.s32 $_size__tile_overlayer_lowered;
	s6 =	simm.s32 $_tile_overlayer_lowered  }
0x9b: {  	s22 =	simm.s32 $0x1BFF;
	s21 =	sshll.u32 s6, $0x1;
	s3 =	sadd.s32 s4, s19  }
0x9c: {  	s7 =	simm.s32 $0x0;
	s20 =	sshll.u32 s5, $0x1;
	s5 =	sadd.s32 s21, s3  }
0x9d: {  	[timem:s7], [sflag:s22] =	dma.local [hbm:s5], s20  }
0x9e: {  	_ =	swait.ge [sflag:s22], s20  }
0x9f: {  	s4 =	ssub.s32 $0x0, s20;
	[sflag:s22] =	ssyncset.done $0x0  }
0xa0: {  	[sflag:s22] =	ssyncadd.s32 s4;
	_ =	sdelay $0x1  }
0xa1: {  	s23 =	simm.s32 $0x1B8B  }
0xa2: {  	_ =	swait.ge [sflag:s23], $0x1  }
0xa3: {  	[sflag:s23] =	ssyncset.done $0x0  }
0xa4: {  	s25 =	simm.s32 $0x1B8E;
	s24 =	sld [smem:$0x3FFE];
	[sflag:s23] =	ssyncadd.s32 $0xFFFFFFFF  }
0xa5: {  	s26 =	simm.s32 $execute0_lowered;
	[smem:$0x3FD2] =	sst s25  }
0xa6: {  	s5 =	sshll.u32 s26, $0x1;
	_ =	strace $0x80000046;
	[dreg:$0x1] =	wrdreg $0xFFFFFFFF  }
0xa7: {  	s28 =	simm.s32 $_size_execute0_lowered;
	s3 =	sadd.s32 s3, s5;
	[dreg:$0x0] =	wrdreg $0x0  }
0xa8: {  	s5 =	sshll.u32 s28, $0x1;
	[dreg:$0x2] =	wrdreg s3  }
0xa9: {  	[dreg:$0x3] =	wrdreg s5  }
0xaa: {  	[dreg:$0x4] =	wrdreg $0xC0  }
0xab: {  	_ =	task [dreg:s7], $0x5FFFF  }
0xac: {  	[dreg:$0x1] =	wrdreg $0xFFFFFFFF  }
0xad: {  	[dreg:$0x0] =	wrdreg $0x60  }
0xae: {  	[dreg:$0x2] =	wrdreg s24  }
0xaf: {  	[dreg:$0x3] =	wrdreg s2  }
0xb0: {  	[dreg:$0x4] =	wrdreg $0x150000  }
0xb1: {  	[dreg:$0x5] =	wrdreg $0x9  }
0xb2: {  	_ =	task.clear_ibuf [dreg:s7], $0x6FFFF;
	_ =	strace $0x90000046  }
0xb3: {  	s29 =	simm.s32 $0x9;
	_ =	strace $0x80000048  }
0xb4: {  	_ =	swait.ge [sflag:s29], $0x1  }
0xb5: {  	[sflag:s29] =	ssyncadd.s32 $0xFFFFFFFF  }
0xb6: {  	_ =	strace $0x90000048  }
0xb7: {  	_ =	sfence  }
0xb8: {  	s30 =	sld [smem:$0x0];
	_ =	sdelay $0x2  }
0xb9: {  	s31 =	sshll.u32 s1, $0xD;
	s1 =	sshrl.u32 s1, $0x2  }
0xba: {  	s3 =	sand.u32 $0x4000, s31;
	s1 =	sadd.s32 s1, s30  }
0xbb: {  	s0 =	sor.u32 s3, s0;
	s1 =	sshll.u32 s1, $0x11  }
0xbc: {  	s0 =	sor.u32 s1, s0  }
0xbd: {  	s0 =	sadd.s32 $0x8F2B, s0  }
0xbe: {  	[sflag:s0] =	ssyncadd.remote.s32 $0x1  }
0xbf: {  	_ =	sfence.sel $0xFFFF  }
0xc0: {  	[dreg:$0x0] =	wrdreg $0xFFFFFFFF;
	(pc) =	sbr.abs _section_cstart, $3  }
0xc1: {  	[dreg:$0x1] =	wrdreg $0xFFFFFFFF  }
0xc2: {  	_ =	task.clear_ibuf [dreg:s7], $0x2FFFF;
	_ =	strace $0x9FFFFFFF  }
0xc3: {  	(tm) =	ssettm $0x7FFFFFFF  }
tec
execute0_lowered:
.L_overlay_start_1:
0x0: {  	(tag) =	ssettag $0x1  }
0x1: {  	s0 =	rddreg [dreg:$0x0]  }
0x2: {  	s2 =	rddreg [dreg:$0x1]  }
0x3: {  	s3 =	rddreg [dreg:$0x2];
	s1 =	srdreg.scid  }
0x4: {  	s10 =	stileid.u32;
	s4 =	simm.s32 $0x0;
	s11 =	simm.s32 $0x9  }
0x5: {  	s12 =	simm.s32 $0x2000;
	s13 =	simm.s32 $0x11000;
	s14 =	simm.s32 $0x64  }
0x6: {  	s15 =	simm.s32 $0x4000;
	s17 =	simm.s32 $0x7400;
	s18 =	simm.s32 $0x1  }
0x7: {  	s20 =	simm.s32 $0xA800;
	s21 =	simm.s32 $0x2;
	s24 =	simm.s32 $0xDC00  }
0x8: {  	s25 =	simm.s32 $0x3;
	s28 =	simm.s32 $0x5;
	s30 =	simm.s32 $0x4  }
0x9: {  	s16 =	simm.s32 $0x7;
	s19 =	simm.s32 $0x8;
	s22 =	simm.s32 $0x0  }
0xa: {  	s1 =	sand.u32 $0x1, s1;
	s5 =	sshll.u32 s10, $0x1;
	[smem:$0x7FF] =	sst s4  }
0xb: {  	s7 =	sshll.u32 s10, $0xA;
	s31 =	sshll.u32 s10, $0xE;
	s6 =	sor.u32 s1, s5  }
0xc: {  	_ =	strace $0x80000047;
	s7 =	sadd.s32 s7, s0;
	s1 =	ssub.s32 $0x2, s1  }
.Ltmp0:
0xd: {  	s5 =	sshll.u32 s6, $0xA;
	s6 =	sshll.u32 s6, $0xB;
	(pc) =	sbr.rel .LBB2_1-.Ltmp0, $4  }
0xe: {  	s9 =	sshrl.u32 s1, $0x1;
	s7 =	sadd.s32 $0x8C00, s7;
	s8 =	sadd.s32 s5, s0  }
0xf: {  	s5 =	sadd.s32 $0xCC00, s0;
	s0 =	sadd.s32 s6, s0;
	s1 =	ssub.s32 s1, s9  }
0x10: {  	s6 =	sadd.s32 $0xC00, s8;
	s8 =	sadd.s32 s31, s3;
	s9 =	sadd.s32 $0xD400, s0  }
0x11: {  	s10 =	smax.u32 s1, $0x1;
	s0 =	simm.s32 $0x6;
	s1 =	simm.s32 $0x280  }
.LBB2_4:
0x12: {  	_ =	swait.ge [sflag:s30], $0x3200  }
0x13: {  	[sflag:s30] =	ssyncset.done $0x0  }
0x14: {  	[sflag:s30] =	ssyncadd.s32 $0xFFFFCE00  }
0x15: {  	[spmem:s3] =	stream.indirect.scatter.add.f32 [tilespmem:s24], [sflag:$0x8], $0x80, s29, s14, $0xb8;
	[tilespmem:$0x19000] =	vst v63  }
0x16: {  	_ =	swait.ge [sflag:s28], $0x3200  }
0x17: {  	[sflag:s28] =	ssyncset.done $0x0  }
0x18: {  	[sflag:s28] =	ssyncadd.s32 $0xFFFFCE00  }
0x19: {  	_ =	swait.ge [sflag:s0], $0x3200  }
0x1a: {  	[sflag:s0] =	ssyncset.done $0x0  }
0x1b: {  	[sflag:s0] =	ssyncadd.s32 $0xFFFFCE00  }
0x1c: {  	_ =	swait.ge [sflag:s16], $0x3200  }
0x1d: {  	[sflag:s16] =	ssyncset.done $0x0  }
0x1e: {  	[sflag:s16] =	ssyncadd.s32 $0xFFFFCE00  }
0x1f: {  	_ =	swait.ge [sflag:s19], $0x3200  }
0x20: {  	[sflag:s19] =	ssyncset.done $0x0  }
0x21: {  	[sflag:s19] =	ssyncadd.s32 $0xFFFFCE00  }
0x22: {  	[tilespmem:s13], [sflag:$0x9] =	stream.linear.gather [spmem:s8], $0x4000, $0x38;
	[tilespmem:$0x19000] =	vst v63  }
0x23: {  	s22 =	sadd.s32 $0x1, s22;
	_ =	swait.ge [sflag:s11], $0x4000  }
0x24: {  	p0 =	sne.s32 s22, s10;
	[sflag:s11] =	ssyncset.done $0x0  }
.Ltmp1:
0x25: {  	[sflag:s11] =	ssyncadd.s32 $0xFFFFC000;
	(pc) =	sbr.rel @!p0 .LBB2_5-.Ltmp1, $4  }
0x26: {  	[hbm4b:s9+s4] =	stream.linear.scatter [tilespmem:s13], [sflag:$0x9], $0x4000, $0x38;
	[tilespmem:$0x19000] =	vst v63  }
0x27: {  	_ =	swait.ge [sflag:s11], $0x4000  }
0x28: {  	[sflag:s11] =	ssyncset.done $0x0  }
0x29: {  	[sflag:s11] =	ssyncadd.s32 $0xFFFFC000  }
.LBB2_1:
0x2a: {  	[tilespmem:s4], [sflag:$0x9] =	stream.linear.gather [hbm4b:s6+s4], $0x2000, $0x38;
	[tilespmem:$0x19000] =	vst v63  }
0x2b: {  	_ =	swait.ge [sflag:s11], $0x2000  }
0x2c: {  	[sflag:s11] =	ssyncset.done $0x0  }
0x2d: {  	[sflag:s11] =	ssyncadd.s32 $0xFFFFE000  }
0x2e: {  	[tilespmem:s12], [sflag:$0x9] =	stream.linear.gather [hbm4b:s7+s4], $0x2000, $0x38;
	[tilespmem:$0x19000] =	vst v63  }
0x2f: {  	_ =	swait.ge [sflag:s11], $0x2000  }
0x30: {  	[sflag:s11] =	ssyncset.done $0x0  }
0x31: {  	[sflag:s11] =	ssyncadd.s32 $0xFFFFE000  }
0x32: {  	[tilespmem:s13], [sflag:$0x9] =	stream.linear.gather [hbm4b:s5+s4], $0x4000, $0x38;
	[tilespmem:$0x19000] =	vst v63  }
0x33: {  	_ =	swait.ge [sflag:s11], $0x4000  }
0x34: {  	[sflag:s11] =	ssyncset.done $0x0  }
0x35: {  	[sflag:s11] =	ssyncadd.s32 $0xFFFFC000  }
0x36: {  	[spmem:s8] =	stream.linear.scatter [tilespmem:s13], [sflag:$0x9], $0x4000, $0x38;
	[tilespmem:$0x19000] =	vst v63  }
0x37: {  	_ =	swait.ge [sflag:s11], $0x4000  }
0x38: {  	[sflag:s11] =	ssyncset.done $0x0  }
0x39: {  	[sflag:s11] =	ssyncadd.s32 $0xFFFFC000  }
0x3a: {  	[tilespmem:s15], [sflag:$0x1] =	stream.indirect.gather [hbm4b:s2+s14], $0x80, s4, s14, $0xb8;
	[tilespmem:$0x19000] =	vst v63  }
0x3b: {  	s23 =	simm.s32 $0x80  }
0x3c: {  	[tilespmem:s17], [sflag:$0x2] =	stream.indirect.gather [hbm4b:s2+s14], $0x80, s23, s14, $0xb8;
	[tilespmem:$0x19000] =	vst v63  }
0x3d: {  	_ =	swait.ge [sflag:s18], $0x3200  }
0x3e: {  	[sflag:s18] =	ssyncset.done $0x0  }
0x3f: {  	[sflag:s18] =	ssyncadd.s32 $0xFFFFCE00  }
0x40: {  	[spmem:s3] =	stream.indirect.scatter.add.f32 [tilespmem:s15], [sflag:$0x5], $0x80, s12, s14, $0xb8;
	[tilespmem:$0x19000] =	vst v63  }
0x41: {  	s26 =	simm.s32 $0x100  }
0x42: {  	[tilespmem:s20], [sflag:$0x3] =	stream.indirect.gather [hbm4b:s2+s14], $0x80, s26, s14, $0xb8;
	[tilespmem:$0x19000] =	vst v63  }
0x43: {  	_ =	swait.ge [sflag:s21], $0x3200  }
0x44: {  	[sflag:s21] =	ssyncset.done $0x0  }
0x45: {  	s29 =	simm.s32 $0x2080;
	[sflag:s21] =	ssyncadd.s32 $0xFFFFCE00  }
0x46: {  	[spmem:s3] =	stream.indirect.scatter.add.f32 [tilespmem:s17], [sflag:$0x6], $0x80, s29, s14, $0xb8;
	[tilespmem:$0x19000] =	vst v63  }
0x47: {  	s31 =	simm.s32 $0x180  }
0x48: {  	[tilespmem:s24], [sflag:$0x4] =	stream.indirect.gather [hbm4b:s2+s14], $0x80, s31, s14, $0xb8;
	[tilespmem:$0x19000] =	vst v63  }
0x49: {  	_ =	swait.ge [sflag:s25], $0x3200  }
0x4a: {  	[sflag:s25] =	ssyncset.done $0x0  }
0x4b: {  	s26 =	simm.s32 $0x2100;
	[sflag:s25] =	ssyncadd.s32 $0xFFFFCE00  }
0x4c: {  	[spmem:s3] =	stream.indirect.scatter.add.f32 [tilespmem:s20], [sflag:$0x7], $0x80, s26, s14, $0xb8;
	[tilespmem:$0x19000] =	vst v63  }
0x4d: {  	_ =	swait.ge [sflag:s28], $0x3200  }
0x4e: {  	[sflag:s28] =	ssyncset.done $0x0  }
0x4f: {  	s29 =	simm.s32 $0x200;
	[sflag:s28] =	ssyncadd.s32 $0xFFFFCE00  }
0x50: {  	[tilespmem:s15], [sflag:$0x1] =	stream.indirect.gather [hbm4b:s2+s14], $0x80, s29, s14, $0xb8;
	[tilespmem:$0x19000] =	vst v63  }
0x51: {  	_ =	swait.ge [sflag:s30], $0x3200  }
0x52: {  	[sflag:s30] =	ssyncset.done $0x0  }
0x53: {  	s31 =	simm.s32 $0x2180;
	[sflag:s30] =	ssyncadd.s32 $0xFFFFCE00  }
0x54: {  	[spmem:s3] =	stream.indirect.scatter.add.f32 [tilespmem:s24], [sflag:$0x8], $0x80, s31, s14, $0xb8;
	[tilespmem:$0x19000] =	vst v63  }
0x55: {  	_ =	swait.ge [sflag:s0], $0x3200  }
0x56: {  	[sflag:s0] =	ssyncset.done $0x0  }
0x57: {  	s23 =	simm.s32 $0x0;
	[sflag:s0] =	ssyncadd.s32 $0xFFFFCE00  }
0x58: {  	[tilespmem:s17], [sflag:$0x2] =	stream.indirect.gather [hbm4b:s2+s14], $0x80, s1, s14, $0xb8;
	[tilespmem:$0x19000] =	vst v63  }
.LBB2_2:
0x59: {  	_ =	swait.ge [sflag:s18], $0x3200  }
0x5a: {  	s26 =	sshra.s32 s23, $0x2;
	[sflag:s18] =	ssyncset.done $0x0  }
0x5b: {  	s29 =	sadd.s32 $0x2200, s26;
	[sflag:s18] =	ssyncadd.s32 $0xFFFFCE00  }
0x5c: {  	[spmem:s3] =	stream.indirect.scatter.add.f32 [tilespmem:s15], [sflag:$0x5], $0x80, s29, s14, $0xb8;
	[tilespmem:$0x19000] =	vst v63  }
0x5d: {  	_ =	swait.ge [sflag:s16], $0x3200  }
0x5e: {  	[sflag:s16] =	ssyncset.done $0x0  }
0x5f: {  	s29 =	sadd.s32 $0x300, s26;
	[sflag:s16] =	ssyncadd.s32 $0xFFFFCE00  }
0x60: {  	[tilespmem:s20], [sflag:$0x3] =	stream.indirect.gather [hbm4b:s2+s14], $0x80, s29, s14, $0xb8;
	[tilespmem:$0x19000] =	vst v63  }
0x61: {  	_ =	swait.ge [sflag:s21], $0x3200  }
0x62: {  	[sflag:s21] =	ssyncset.done $0x0  }
0x63: {  	s29 =	sadd.s32 $0x2280, s26;
	[sflag:s21] =	ssyncadd.s32 $0xFFFFCE00  }
0x64: {  	[spmem:s3] =	stream.indirect.scatter.add.f32 [tilespmem:s17], [sflag:$0x6], $0x80, s29, s14, $0xb8;
	[tilespmem:$0x19000] =	vst v63  }
0x65: {  	_ =	swait.ge [sflag:s19], $0x3200  }
0x66: {  	[sflag:s19] =	ssyncset.done $0x0  }
0x67: {  	p0 =	seq.s32 s23, $0x7000;
	s29 =	sadd.s32 $0x380, s26;
	[sflag:s19] =	ssyncadd.s32 $0xFFFFCE00  }
0x68: {  	[tilespmem:s24], [sflag:$0x4] =	stream.indirect.gather [hbm4b:s2+s14], $0x80, s29, s14, $0xb8;
	[tilespmem:$0x19000] =	vst v63  }
.Ltmp2:
0x69: {  	_ =	swait.ge [sflag:s25], $0x3200;
	(pc) =	sbr.rel @p0 .LBB2_4-.Ltmp2, $4  }
0x6a: {  	[sflag:s25] =	ssyncset.done $0x0  }
0x6b: {  	s29 =	sadd.s32 $0x2300, s26;
	[sflag:s25] =	ssyncadd.s32 $0xFFFFCE00  }
0x6c: {  	[spmem:s3] =	stream.indirect.scatter.add.f32 [tilespmem:s20], [sflag:$0x7], $0x80, s29, s14, $0xb8;
	[tilespmem:$0x19000] =	vst v63  }
0x6d: {  	s29 =	sadd.s32 $0x2380, s26  }
0x6e: {  	_ =	swait.ge [sflag:s28], $0x3200  }
0x6f: {  	[sflag:s28] =	ssyncset.done $0x0  }
0x70: {  	s31 =	sadd.s32 $0x400, s26;
	[sflag:s28] =	ssyncadd.s32 $0xFFFFCE00  }
0x71: {  	[tilespmem:s15], [sflag:$0x1] =	stream.indirect.gather [hbm4b:s2+s14], $0x80, s31, s14, $0xb8;
	[tilespmem:$0x19000] =	vst v63  }
0x72: {  	_ =	swait.ge [sflag:s30], $0x3200  }
0x73: {  	[sflag:s30] =	ssyncset.done $0x0  }
0x74: {  	[sflag:s30] =	ssyncadd.s32 $0xFFFFCE00  }
0x75: {  	[spmem:s3] =	stream.indirect.scatter.add.f32 [tilespmem:s24], [sflag:$0x8], $0x80, s29, s14, $0xb8;
	[tilespmem:$0x19000] =	vst v63  }
.Ltmp3:
0x76: {  	_ = 	snop;
	(pc) =	sbr.rel .LBB2_2-.Ltmp3, $4  }
0x77: {  	_ =	swait.ge [sflag:s0], $0x3200  }
0x78: {  	[sflag:s0] =	ssyncset.done $0x0  }
0x79: {  	s23 =	sadd.s32 $0x800, s23;
	s31 =	sadd.s32 $0x480, s26;
	[sflag:s0] =	ssyncadd.s32 $0xFFFFCE00  }
0x7a: {  	[tilespmem:s17], [sflag:$0x2] =	stream.indirect.gather [hbm4b:s2+s14], $0x80, s31, s14, $0xb8;
	[tilespmem:$0x19000] =	vst v63  }
.LBB2_5:
0x7b: {  	_ =	sfence.sel $0x180000  }
0x7c: {  	[bflag:$0x0] =	sbarrier.arrive $0xFFFF  }
0x7d: {  	_ =	strace $0x90000047  }
0x7e: {  	s0 =	stileid.u32;
	[bflag:$0x2] =	sbarrier.arrive $0xFFFF  }
0x7f: {  	p0 =	sne.s32 s0, $0x0;
	s0 =	rddreg [dreg:$0x3]  }
0x80: {  	s0 =	sadd.s32 @!p0 $0x100000, s0  }
0x81: {  	[sflag:s0] =	ssyncadd.tile.s32 @!p0 $0x1;
	_ =	shalt  }
.Lfunc_end2:
_tile_overlayer_lowered:
.L_overlay_start_2:
0x82: {  	(tag) =	ssettag $0x2  }
0x83: {  	s0 =	rddreg [dreg:$0x0];
	s2 =	stileid.u32  }
0x84: {  	s1 =	rddreg [dreg:$0x1];
	p0 =	sne.s32 s2, $0x0  }
0x85: {  	s3 =	rddreg [dreg:$0x2];
	[bflag:$0x3] =	sbarrier.arrive $0xFFFF;
	s2 =	simm.s32 @!p0 $0x1C09  }
0x86: {  	[timem:s3], [sflag:s2] =	dma.local @!p0 [hbm:s0], s1  }
0x87: {  	s0 =	simm.s32 @!p0 $0x9  }
0x88: {  	_ =	swait.ge @!p0 [sflag:s0], s1  }
0x89: {  	s1 =	ssub.s32 @!p0 $0x0, s1;
	[sflag:s0] =	ssyncset.done @!p0 $0x0  }
0x8a: {  	[sflag:s0] =	ssyncadd.s32 @!p0 s1  }
0x8b: {  	[bflag:$0x3] =	sbarrier.arrive $0xFFFF  }
0x8c: {  	_ =	shalt  }

</sc_bundles>
